<compile_context>
chip_gen: v7x
topology: tpu7x:2x2x1
jax: 0.10.2.dev20260603
libtpu: 0.0.44.dev20260713+nightly
codegen_flags: <defaults>
</compile_context>

<pallas_src>
import functools
import jax
import jax.numpy as jnp
from jax import lax
from jax.experimental import pallas as pl
from jax.experimental.pallas import tpu as pltpu
from jax.experimental.pallas import tpu_sc as plsc

F32 = jnp.float32
_NW = 32


@functools.partial(jax.jit, static_argnames=())
def _sc_gather2(x, rowp, colp):
    NP, H = x.shape
    EP = rowp.shape[0]
    per_w = EP // _NW
    nb = per_w // 128
    mesh = plsc.VectorSubcoreMesh(core_axis_name="c", subcore_axis_name="s")

    @functools.partial(
        pl.kernel, mesh=mesh,
        out_type=[jax.ShapeDtypeStruct((EP, H), F32),
                  jax.ShapeDtypeStruct((EP, H), F32)],
        scratch_types=[pltpu.VMEM((128,), jnp.int32),
                       pltpu.VMEM((128, H), F32),
                       pltpu.VMEM((128,), jnp.int32),
                       pltpu.VMEM((128, H), F32),
                       pltpu.SemaphoreType.DMA,
                       pltpu.SemaphoreType.DMA],
    )
    def k(x_hbm, row_hbm, col_hbm, xr_hbm, xc_hbm,
          idx_a, rows_a, idx_b, rows_b, sem_a, sem_b):
        wid = lax.axis_index("s") * 2 + lax.axis_index("c")
        base = wid * per_w

        def body(b, carry):
            st = base + b * 128
            pltpu.sync_copy(row_hbm.at[pl.ds(st, 128)], idx_a)
            pltpu.sync_copy(col_hbm.at[pl.ds(st, 128)], idx_b)
            cp_a = pltpu.async_copy(x_hbm.at[idx_a], rows_a, sem_a)
            cp_b = pltpu.async_copy(x_hbm.at[idx_b], rows_b, sem_b)
            cp_a.wait()
            pltpu.sync_copy(rows_a, xr_hbm.at[pl.ds(st, 128)])
            cp_b.wait()
            pltpu.sync_copy(rows_b, xc_hbm.at[pl.ds(st, 128)])
            return carry

        lax.fori_loop(0, nb, body, 0)

    return k(x, rowp, colp)


def _ln(h, g, b):
    m = jnp.mean(h, axis=-1, keepdims=True)
    v = jnp.mean((h - m) ** 2, axis=-1, keepdims=True)
    return (h - m) * lax.rsqrt(v + 1e-5) * g + b


def _dot(a, b):
    return jnp.dot(a, b, preferred_element_type=jnp.float32)


_SLAB = 2048
_NBP = 64


def _sc_scatter(m, e, permp, reluid, zrowsz):
    EP, H = m.shape
    S = EP // _SLAB
    mesh = plsc.VectorSubcoreMesh(core_axis_name="c", subcore_axis_name="s")

    @functools.partial(
        pl.kernel, mesh=mesh,
        out_type=[jax.ShapeDtypeStruct((EP, H), F32),
                  jax.ShapeDtypeStruct((EP, H), F32)],
        scratch_types=[pltpu.VMEM((128,), jnp.int32),
                       pltpu.VMEM((1, 128), jnp.int32),
                       pltpu.VMEM((128, H), F32),
                       pltpu.VMEM((128, H), F32),
                       pltpu.VMEM((_SLAB // 16, H), F32),
                       pltpu.VMEM_SHARED((_SLAB, H), F32),
                       pltpu.VMEM_SHARED((_SLAB, H), F32),
                       pltpu.SemaphoreType.DMA,
                       pltpu.SemaphoreType.DMA],
    )
    def k(m_hbm, e_hbm, perm_hbm, rel_hbm, zr_hbm,
          sums_hbm, eagg_hbm,
          idxv, tgtv, mrows, erows, zrows, accm, acce, sem_a, sem_b):
        core = lax.axis_index("c")
        sub = lax.axis_index("s")
        pltpu.sync_copy(zr_hbm, zrows)

        rpt = _SLAB // 16
        bpt = _SLAB // (16 * 128)

        def do_slab(c):
            z_a = pltpu.async_copy(zrows, accm.at[pl.ds(sub * rpt, rpt)], sem_a)
            z_b = pltpu.async_copy(zrows, acce.at[pl.ds(sub * rpt, rpt)], sem_b)
            z_a.wait()
            z_b.wait()
            plsc.subcore_barrier()
            for b in range(bpt):
                st = c * _SLAB + (sub * bpt + b) * 128
                i_a = pltpu.async_copy(perm_hbm.at[pl.ds(st, 128)], idxv, sem_a)
                i_b = pltpu.async_copy(rel_hbm.at[pl.ds(st, 128)], tgtv.at[0], sem_b)
                i_a.wait()
                i_b.wait()
                cp_a = pltpu.async_copy(m_hbm.at[idxv], mrows, sem_a)
                cp_b = pltpu.async_copy(e_hbm.at[idxv], erows, sem_b)
                cp_a.wait()
                cp_b.wait()
                s_a = pltpu.async_copy(mrows, accm.at[tgtv.at[0]], sem_a, add=True)
                s_b = pltpu.async_copy(erows, acce.at[tgtv.at[0]], sem_b, add=True)
                s_a.wait()
                s_b.wait()
            plsc.subcore_barrier()
            src_s = pl.ds(sub * rpt, rpt)
            dst_s = pl.ds(c * _SLAB + sub * rpt, rpt)
            w_a = pltpu.async_copy(accm.at[src_s], sums_hbm.at[dst_s], sem_a)
            w_b = pltpu.async_copy(acce.at[src_s], eagg_hbm.at[dst_s], sem_b)
            w_a.wait()
            w_b.wait()
            plsc.subcore_barrier()

        for ci in range(-(-S // 2)):
            c = 2 * ci + core

            @pl.when(c < S)
            def _():
                do_slab(c)

    return k(m, e, permp, reluid, zrowsz)


def _sc_gather_pair(t1, t2, gpos):
    _, H = t1.shape
    NPt = gpos.shape[0]
    per_w = NPt // _NW
    nb = per_w // 128
    mesh = plsc.VectorSubcoreMesh(core_axis_name="c", subcore_axis_name="s")

    @functools.partial(
        pl.kernel, mesh=mesh,
        out_type=[jax.ShapeDtypeStruct((NPt, H), F32),
                  jax.ShapeDtypeStruct((NPt, H), F32)],
        scratch_types=[pltpu.VMEM((128,), jnp.int32),
                       pltpu.VMEM((128, H), F32),
                       pltpu.VMEM((128, H), F32),
                       pltpu.SemaphoreType.DMA,
                       pltpu.SemaphoreType.DMA],
    )
    def k(t1_hbm, t2_hbm, g_hbm, o1_hbm, o2_hbm,
          idxv, rows_a, rows_b, sem_a, sem_b):
        wid = lax.axis_index("s") * 2 + lax.axis_index("c")
        base = wid * per_w

        def body(b, carry):
            st = base + b * 128
            pltpu.sync_copy(g_hbm.at[pl.ds(st, 128)], idxv)
            cp_a = pltpu.async_copy(t1_hbm.at[idxv], rows_a, sem_a)
            cp_b = pltpu.async_copy(t2_hbm.at[idxv], rows_b, sem_b)
            cp_a.wait()
            pltpu.sync_copy(rows_a, o1_hbm.at[pl.ds(st, 128)])
            cp_b.wait()
            pltpu.sync_copy(rows_b, o2_hbm.at[pl.ds(st, 128)])
            return carry

        lax.fori_loop(0, nb, body, 0)

    return k(t1, t2, gpos)


def _edge_body(xr, xc, ea, u,
               wxr, wxc, wea, wu, b1, w2, b2, g2, bt2,
               mxc, me, mb1, m2, mb2, mg, mbt,
               e_out, m_out):
    h = _dot(xr[...], wxr[...]) + _dot(xc[...], wxc[...]) \
        + _dot(ea[...], wea[...]) + _dot(u[...], wu[...]) + b1[...]
    h = jnp.maximum(h, 0.0)
    e = _ln(_dot(h, w2[...]) + b2[...], g2[...], bt2[...])
    e_out[...] = e
    hm = jnp.maximum(_dot(xc[...], mxc[...]) + _dot(e, me[...]) + mb1[...], 0.0)
    m_out[...] = _ln(_dot(hm, m2[...]) + mb2[...], mg[...], mbt[...])


def _edge_call(xr, xc, ea, u, pe, pm, BE=2048):
    EP, H = xr.shape
    FE = ea.shape[1]
    F = xr.shape[1]
    grid = EP // BE
    row_spec = lambda w: pl.BlockSpec((BE, w), lambda i: (i, 0))
    full = lambda a: pl.BlockSpec(a.shape, lambda i: (0, 0))
    wxr, wxc, wea, wu = (pe["l1"]["W"][:F], pe["l1"]["W"][F:2 * F],
                         pe["l1"]["W"][2 * F:2 * F + FE], pe["l1"]["W"][2 * F + FE:])
    mxc, me = pm["l1"]["W"][:F], pm["l1"]["W"][F:]
    r2 = lambda a: a.reshape(1, -1)
    args = (xr, xc, ea, u,
            wxr, wxc, wea, wu, r2(pe["l1"]["b"]), pe["l2"]["W"], r2(pe["l2"]["b"]),
            r2(pe["ln_g"]), r2(pe["ln_b"]),
            mxc, me, r2(pm["l1"]["b"]), pm["l2"]["W"], r2(pm["l2"]["b"]),
            r2(pm["ln_g"]), r2(pm["ln_b"]))
    in_specs = [row_spec(F), row_spec(F), row_spec(FE), row_spec(u.shape[1])] + \
               [full(a) for a in args[4:]]
    out_shape = [jax.ShapeDtypeStruct((EP, H), F32)] * 2
    out_specs = [row_spec(H), row_spec(H)]
    return pl.pallas_call(
        _edge_body, grid=(grid,), in_specs=in_specs,
        out_specs=out_specs, out_shape=out_shape)(*args)


def _node_body(x, s, cnt, u, valid, bpm, bnode,
               wx, wa, wu2, b1, w2, b2, g, bt,
               g1w1, g1b1, g1w2, g1b2, g1g, g1bt,
               x_out, u1_out, cs_out, *, BN, nreal):
    i = pl.program_id(0)
    ridf = (i * BN + lax.broadcasted_iota(jnp.int32, (BN, 1), 0)).astype(F32)
    oh = (ridf == bnode[...]).astype(F32)
    sums = jnp.where(valid[...] > 0.0, s[...] + _dot(oh, bpm[...]), 0.0)
    agg = sums / jnp.maximum(cnt[...], 1.0)
    h = jnp.maximum(_dot(x[...], wx[...]) + _dot(agg, wa[...])
                    + _dot(u[...], wu2[...]) + b1[...], 0.0)
    xn = _ln(_dot(h, w2[...]) + b2[...], g[...], bt[...])
    x_out[...] = xn
    rowid = i * BN + lax.broadcasted_iota(jnp.int32, xn.shape, 0)
    xm = jnp.where(rowid < nreal, xn, 0.0)

    @pl.when(i == 0)
    def _():
        cs_out[...] = jnp.zeros_like(cs_out)

    cs_out[...] += jnp.sum(xm, axis=0, keepdims=True)
    h1 = jnp.maximum(_dot(u[...], g1w1[...]) + g1b1[...], 0.0)
    u1_out[...] = _ln(_dot(h1, g1w2[...]) + g1b2[...], g1g[...], g1bt[...])


def _node_call(nreal, x, s, cnt, u, valid, pn, pg1, bpm, bnode, BN=2048):
    NP, H = x.shape
    F = x.shape[1]
    grid = NP // BN
    row_spec = lambda w: pl.BlockSpec((BN, w), lambda i: (i, 0))
    full = lambda a: pl.BlockSpec(a.shape, lambda i: (0, 0))
    r2 = lambda a: a.reshape(1, -1)
    wx, wa, wu2 = pn["l1"]["W"][:F], pn["l1"]["W"][F:F + H], pn["l1"]["W"][F + H:]
    args = (x, s, cnt, u, valid,
            bpm, bnode,
            wx, wa, wu2, r2(pn["l1"]["b"]), pn["l2"]["W"], r2(pn["l2"]["b"]),
            r2(pn["ln_g"]), r2(pn["ln_b"]),
            pg1["l1"]["W"], r2(pg1["l1"]["b"]), pg1["l2"]["W"], r2(pg1["l2"]["b"]),
            r2(pg1["ln_g"]), r2(pg1["ln_b"]))
    in_specs = [row_spec(F), row_spec(H), row_spec(1), row_spec(u.shape[1]),
                row_spec(1)] + [full(a) for a in args[5:]]
    out_shape = [jax.ShapeDtypeStruct((NP, H), F32),
                 jax.ShapeDtypeStruct((NP, H), F32),
                 jax.ShapeDtypeStruct((1, H), F32)]
    out_specs = [row_spec(H), row_spec(H), pl.BlockSpec((1, H), lambda i: (0, 0))]
    return pl.pallas_call(
        functools.partial(_node_body, BN=BN, nreal=nreal),
        grid=(grid,), in_specs=in_specs,
        out_specs=out_specs, out_shape=out_shape)(*args)


def _glob_body(u1, eagg, ns, valid, bpe, bnode, wa, wc, wb, b1, w2, b2, g, bt,
               u_out, *, BN):
    i = pl.program_id(0)
    ridf = (i * BN + lax.broadcasted_iota(jnp.int32, (BN, 1), 0)).astype(F32)
    oh = (ridf == bnode[...]).astype(F32)
    ea = jnp.where(valid[...] > 0.0, eagg[...] + _dot(oh, bpe[...]), 0.0)
    h = _dot(u1[...], wa[...]) + _dot(ea, wc[...]) \
        + _dot(ns[...], wb[...]) + b1[...]
    h = jnp.maximum(h, 0.0)
    u_out[...] = _ln(_dot(h, w2[...]) + b2[...], g[...], bt[...])


def _glob_call(u1, eagg, ns, valid, pg2, bpe, bnode, BN=2048):
    NP, H = u1.shape
    grid = NP // BN
    row_spec = pl.BlockSpec((BN, H), lambda i: (i, 0))
    full = lambda a: pl.BlockSpec(a.shape, lambda i: (0, 0))
    r2 = lambda a: a.reshape(1, -1)
    wa, wb, wc = pg2["l1"]["W"][:H], pg2["l1"]["W"][H:2 * H], pg2["l1"]["W"][2 * H:]
    args = (u1, eagg, ns, valid, bpe, bnode, wa, wc, wb, r2(pg2["l1"]["b"]),
            pg2["l2"]["W"], r2(pg2["l2"]["b"]), r2(pg2["ln_g"]), r2(pg2["ln_b"]))
    in_specs = [row_spec, row_spec, pl.BlockSpec((1, H), lambda i: (0, 0)),
                pl.BlockSpec((BN, 1), lambda i: (i, 0))] + \
               [full(a) for a in args[4:]]
    return pl.pallas_call(
        functools.partial(_glob_body, BN=BN), grid=(grid,), in_specs=in_specs,
        out_specs=row_spec,
        out_shape=jax.ShapeDtypeStruct((NP, H), F32))(*args)


def kernel(x, edge_index, edge_attr, u, params):
    N, F = x.shape
    E = edge_index.shape[1]
    H = params[0]["edge"]["l2"]["W"].shape[1]
    EP = -(-E // 4096) * 4096
    NP = -(-N // 4096) * 4096

    row = edge_index[0].astype(jnp.int32)
    col = edge_index[1].astype(jnp.int32)

    xp = jnp.zeros((NP, F), F32).at[:N].set(x)
    up = jnp.zeros((NP, u.shape[1]), F32).at[:N].set(u)
    eap = jnp.zeros((EP, edge_attr.shape[1]), F32).at[:E].set(edge_attr)
    pad_idx = jnp.arange(EP - E, dtype=jnp.int32)
    rowp = jnp.concatenate([row, pad_idx])
    colp = jnp.concatenate([col, pad_idx])

    S = EP // _SLAB
    perm = jnp.argsort(row).astype(jnp.int32)
    row_s = row[perm]
    permp = jnp.concatenate([perm, jnp.arange(E, EP, dtype=jnp.int32)])
    rows_all = jnp.concatenate([row_s, jnp.full((EP - E,), N, jnp.int32)])
    flags = jnp.concatenate(
        [jnp.zeros((1,), jnp.int32),
         (rows_all[1:] != rows_all[:-1]).astype(jnp.int32)])
    uid = jnp.cumsum(flags)
    reluid = (uid - jnp.repeat(uid[::_SLAB], _SLAB)).astype(jnp.int32)
    slabpos = (jnp.arange(EP, dtype=jnp.int32) // _SLAB) * _SLAB + reluid
    starts = jnp.arange(1, S, dtype=jnp.int32) * _SLAB
    shared = rows_all[starts] == rows_all[starts - 1]
    bnode = jnp.full((_NBP,), -1, jnp.int32).at[jnp.arange(1, S)].set(
        jnp.where(shared, rows_all[starts], -1))
    bnode_f = bnode.astype(F32).reshape(1, _NBP)
    big = jnp.int32(1 << 30)
    gpos = jnp.full((NP,), big, jnp.int32).at[rows_all].min(slabpos)
    gpos = jnp.where(gpos == big, jnp.arange(NP, dtype=jnp.int32) % EP, gpos)
    bounds_n = jnp.searchsorted(row_s, jnp.arange(NP + 1, dtype=jnp.int32))
    cnt = (bounds_n[1:] - bounds_n[:-1]).astype(F32).reshape(NP, 1)
    valid = (cnt > 0).astype(F32)
    zrowsz = jnp.zeros((_SLAB // 16, F), F32)

    zpadr = jnp.zeros((_NBP - S, F), F32)
    gpos, xp, up, eap = lax.optimization_barrier((gpos, xp, up, eap))
    for p in params:
        xr, xc = _sc_gather2(xp, rowp, colp)
        e_new, m = _edge_call(xr, xc, eap, up, p["edge"], p["node1"])
        sums_c, eagg_c = _sc_scatter(m, e_new, permp, reluid, zrowsz)
        sums, eagg = _sc_gather_pair(sums_c, eagg_c, gpos)
        bpm = jnp.concatenate([sums_c.reshape(S, _SLAB, F)[:, 0, :], zpadr])
        bpe = jnp.concatenate([eagg_c.reshape(S, _SLAB, F)[:, 0, :], zpadr])
        xp, u1, ns = _node_call(N, xp, sums, cnt, up, valid,
                                p["node2"], p["glob1"], bpm, bnode_f)
        up = _glob_call(u1, eagg, ns, valid, p["glob2"], bpe, bnode_f)
        eap = e_new

    return (xp[:N], eap[:E], up[:N])

# --- scband reference (transcript-rebuilt; emitter-appended) ---
"""Pipeline reference for scband-graph-network-ltp-21655225106540 (READ-ONLY COPY).

The authoritative reference and input builder live on the scoring server;
editing this copy changes nothing except your own understanding.
"""

import jax, jax.numpy as jnp
import numpy as np

N = 100000
E = 100000
F = 128
FE = 16
G = 128
H = 128


def _lin(key, din, dout):
    return {"W": jax.random.normal(key, (din, dout), jnp.float32) * 0.02,
            "b": jnp.zeros((dout,), jnp.float32)}


def _mlp_params(key, din, h):
    k1, k2 = jax.random.split(key)
    return {"l1": _lin(k1, din, h), "l2": _lin(k2, h, h),
            "ln_g": jnp.ones((h,), jnp.float32), "ln_b": jnp.zeros((h,), jnp.float32)}


def _layer_params(key, f, fe, g, h):
    ks = jax.random.split(key, 5)
    return {"edge": _mlp_params(ks[0], 2 * f + fe + h, h),
            "node1": _mlp_params(ks[1], f + h, h),
            "node2": _mlp_params(ks[2], f + 2 * h, h),
            "glob1": _mlp_params(ks[3], g, h),
            "glob2": _mlp_params(ks[4], 3 * h, h)}


def setup_inputs(seed: int = 0) -> dict:
    key = jax.random.key(seed)
    ks = jax.random.split(key, 7)
    x = jax.random.normal(ks[0], (N, F), jnp.float32)
    edge_index = jax.random.randint(ks[1], (2, E), 0, N)
    edge_attr = jax.random.normal(ks[2], (E, FE), jnp.float32)
    u = jax.random.normal(ks[3], (N, G), jnp.float32)
    params = [_layer_params(ks[4], F, FE, G, H),
              _layer_params(ks[5], H, H, H, H),
              _layer_params(ks[6], H, H, H, H)]
    return {"x": x, "edge_index": edge_index, "edge_attr": edge_attr, "u": u, "params": params}


def _ln(x, g, b):
    m = jnp.mean(x, axis=-1, keepdims=True)
    v = jnp.var(x, axis=-1, keepdims=True)
    return (x - m) / jnp.sqrt(v + 1e-5) * g + b


def _mlp(p, x):
    h = jnp.maximum(x @ p["l1"]["W"] + p["l1"]["b"], 0.0)
    h = h @ p["l2"]["W"] + p["l2"]["b"]
    return _ln(h, p["ln_g"], p["ln_b"])


def _forward(x, edge_attr, u, params, edge_index):
    row = edge_index[0]
    col = edge_index[1]
    n = x.shape[0]
    for p in params:
        # EdgeModelLtp: per-edge MLP over [src, dest, edge_attr, u]
        edge_attr = _mlp(p["edge"], jnp.concatenate([x[row], x[col], edge_attr, u], axis=1))
        # NodeModelLtp: message MLP, scatter_mean by row, then node update MLP
        m = _mlp(p["node1"], jnp.concatenate([x[col], edge_attr], axis=1))
        sums = jax.ops.segment_sum(m, row, num_segments=n)
        cnt = jax.ops.segment_sum(jnp.ones((m.shape[0], 1), m.dtype), row, num_segments=n)
        agg = sums / jnp.clip(cnt, 1.0)
        x = _mlp(p["node2"], jnp.concatenate([x, agg, u], axis=1))
        # GlobalModel: MLP on u, sum-aggregations of nodes and edges, combine MLP
        u1 = _mlp(p["glob1"], u)
        nodes_agg = jnp.broadcast_to(jnp.sum(x, axis=0, keepdims=True), (n, x.shape[1]))
        edges_agg = jax.ops.segment_sum(edge_attr, row, num_segments=n)
        u = _mlp(p["glob2"], jnp.concatenate([u1, nodes_agg, edges_agg], axis=1))
    return (x, edge_attr, u)


def reference(x, edge_index, edge_attr, u, params):
    return _forward(x, edge_attr, u, params, edge_index)

if __name__ == "__main__":
    import jax
    _d = setup_inputs()
    print(jax.jit(kernel)(*tuple(_d.values())))

</pallas_src>

<mosaic_0001>
#map = affine_map<(d0, d1) -> (0, 0)>
#map1 = affine_map<(d0, d1) -> (0)>
module attributes {stable_mosaic.version = 14 : i64} {
  func.func @k(%arg0: i32, %arg1: i32, %arg2: memref<102400x128xf32, #tpu.memory_space<hbm>>, %arg3: memref<102400xi32, #tpu.memory_space<hbm>>, %arg4: memref<102400xi32, #tpu.memory_space<hbm>>, %arg5: memref<102400x128xf32, #tpu.memory_space<hbm>>, %arg6: memref<102400x128xf32, #tpu.memory_space<hbm>>, %arg7: memref<128xi32, #tpu.memory_space<vmem>>, %arg8: memref<128x128xf32, #tpu.memory_space<vmem>>, %arg9: memref<128xi32, #tpu.memory_space<vmem>>, %arg10: memref<128x128xf32, #tpu.memory_space<vmem>>, %arg11: memref<!tpu.dma_semaphore, #tpu.memory_space<semaphore_mem>>, %arg12: memref<!tpu.dma_semaphore, #tpu.memory_space<semaphore_mem>>) attributes {dimension_semantics = [#tpu.dimension_semantics<core_parallel>, #tpu.dimension_semantics<subcore_parallel>], iteration_bounds = array<i64: 2, 16>, scalar_prefetch = 0 : i64, scratch_operands = 6 : i64, tpu.core_type = #tpu.core_type<sc_vector_subcore>, window_params = [{transform_indices = #map}, {transform_indices = #map1}, {transform_indices = #map1}, {transform_indices = #map}, {transform_indices = #map}]} {
    %mul3A = arith.constant 2 : i32
    %mul3A_0 = arith.muli %arg1, %mul3A : i32
    %add3A = arith.addi %mul3A_0, %arg0 : i32
    %mul3A_1 = arith.constant 3200 : i32
    %mul3A_2 = arith.muli %add3A, %mul3A_1 : i32
    %scan3A = arith.constant 0 : i32
    %scan3A_3 = arith.constant 0 : i32
    %scan3A_4 = arith.constant 25 : i32
    %scan3A_5 = arith.addi %scan3A_3, %scan3A_4 : i32
    %scan3A_6 = arith.constant 1 : i32
    scf.for %scan3A_8 = %scan3A_3 to %scan3A_5 step %scan3A_6  : i32 {
      %mul3A_9 = arith.constant 128 : i32
      %mul3A_10 = arith.muli %scan3A_8, %mul3A_9 : i32
      %add3A_11 = arith.addi %mul3A_2, %mul3A_10 : i32
      "tpu.region"() ({
        %run_scoped3A = tpu.sem_alloc : memref<!tpu.dma_semaphore, #tpu.memory_space<semaphore_mem>>
        %dma_start3A_22 = tpu.memref_slice %arg3[%add3A_11] : memref<102400xi32, #tpu.memory_space<hbm>> -> memref<128xi32, #tpu.memory_space<hbm>>
        %dma_start3A_23 = tpu.memref_slice %arg3[%add3A_11] : memref<102400xi32, #tpu.memory_space<hbm>> -> memref<128xi32, #tpu.memory_space<hbm>>
        tpu.enqueue_dma source(%dma_start3A_23 : memref<128xi32, #tpu.memory_space<hbm>>) target(%arg7 : memref<128xi32, #tpu.memory_space<vmem>>) target_semaphore(%run_scoped3A : memref<!tpu.dma_semaphore, #tpu.memory_space<semaphore_mem>>)
        %dma_wait3A_24 = tpu.memref_slice %arg3[%add3A_11] : memref<102400xi32, #tpu.memory_space<hbm>> -> memref<128xi32, #tpu.memory_space<hbm>>
        %dma_wait3A_25 = tpu.memref_slice %arg3[%add3A_11] : memref<102400xi32, #tpu.memory_space<hbm>> -> memref<128xi32, #tpu.memory_space<hbm>>
        tpu.wait_dma2 semaphore(%run_scoped3A : memref<!tpu.dma_semaphore, #tpu.memory_space<semaphore_mem>>) src(%dma_wait3A_25 : memref<128xi32, #tpu.memory_space<hbm>>) dst(%arg7 : memref<128xi32, #tpu.memory_space<vmem>>)
        tpu.yield
      }) : () -> ()
      "tpu.region"() ({
        %run_scoped3A = tpu.sem_alloc : memref<!tpu.dma_semaphore, #tpu.memory_space<semaphore_mem>>
        %dma_start3A_22 = tpu.memref_slice %arg4[%add3A_11] : memref<102400xi32, #tpu.memory_space<hbm>> -> memref<128xi32, #tpu.memory_space<hbm>>
        %dma_start3A_23 = tpu.memref_slice %arg4[%add3A_11] : memref<102400xi32, #tpu.memory_space<hbm>> -> memref<128xi32, #tpu.memory_space<hbm>>
        tpu.enqueue_dma source(%dma_start3A_23 : memref<128xi32, #tpu.memory_space<hbm>>) target(%arg9 : memref<128xi32, #tpu.memory_space<vmem>>) target_semaphore(%run_scoped3A : memref<!tpu.dma_semaphore, #tpu.memory_space<semaphore_mem>>)
        %dma_wait3A_24 = tpu.memref_slice %arg4[%add3A_11] : memref<102400xi32, #tpu.memory_space<hbm>> -> memref<128xi32, #tpu.memory_space<hbm>>
        %dma_wait3A_25 = tpu.memref_slice %arg4[%add3A_11] : memref<102400xi32, #tpu.memory_space<hbm>> -> memref<128xi32, #tpu.memory_space<hbm>>
        tpu.wait_dma2 semaphore(%run_scoped3A : memref<!tpu.dma_semaphore, #tpu.memory_space<semaphore_mem>>) src(%dma_wait3A_25 : memref<128xi32, #tpu.memory_space<hbm>>) dst(%arg9 : memref<128xi32, #tpu.memory_space<vmem>>)
        tpu.yield
      }) : () -> ()
      %dma_start3A = arith.constant 0 : i32
      %dma_start3A_12 = arith.constant 0 : i32
      %dma_start3A_13 = tpu.memref_slice %arg2[%dma_start3A, %dma_start3A_12] : memref<102400x128xf32, #tpu.memory_space<hbm>> -> memref<102400x128xf32, #tpu.memory_space<hbm>>
      tpu.enqueue_indirect_dma source(%dma_start3A_13 : memref<102400x128xf32, #tpu.memory_space<hbm>>) target(%arg8 : memref<128x128xf32, #tpu.memory_space<vmem>>) offsets(%arg7 : memref<128xi32, #tpu.memory_space<vmem>>) semaphore(%arg11 : memref<!tpu.dma_semaphore, #tpu.memory_space<semaphore_mem>>)
      %dma_start3A_14 = arith.constant 0 : i32
      %dma_start3A_15 = arith.constant 0 : i32
      %dma_start3A_16 = tpu.memref_slice %arg2[%dma_start3A_14, %dma_start3A_15] : memref<102400x128xf32, #tpu.memory_space<hbm>> -> memref<102400x128xf32, #tpu.memory_space<hbm>>
      tpu.enqueue_indirect_dma source(%dma_start3A_16 : memref<102400x128xf32, #tpu.memory_space<hbm>>) target(%arg10 : memref<128x128xf32, #tpu.memory_space<vmem>>) offsets(%arg9 : memref<128xi32, #tpu.memory_space<vmem>>) semaphore(%arg12 : memref<!tpu.dma_semaphore, #tpu.memory_space<semaphore_mem>>)
      %dma_wait3A = arith.constant 0 : i32
      %dma_wait3A_17 = arith.constant 0 : i32
      %dma_wait3A_18 = tpu.memref_slice %arg2[%dma_wait3A, %dma_wait3A_17] : memref<102400x128xf32, #tpu.memory_space<hbm>> -> memref<102400x128xf32, #tpu.memory_space<hbm>>
      tpu.wait_indirect_dma semaphore(%arg11 : memref<!tpu.dma_semaphore, #tpu.memory_space<semaphore_mem>>) src(%dma_wait3A_18 : memref<102400x128xf32, #tpu.memory_space<hbm>>) dst(%arg8 : memref<128x128xf32, #tpu.memory_space<vmem>>)
      "tpu.region"() ({
        %run_scoped3A = tpu.sem_alloc : memref<!tpu.dma_semaphore, #tpu.memory_space<semaphore_mem>>
        %dma_start3A_22 = arith.constant 0 : i32
        %dma_start3A_23 = tpu.memref_slice %arg5[%add3A_11, %dma_start3A_22] : memref<102400x128xf32, #tpu.memory_space<hbm>> -> memref<128x128xf32, #tpu.memory_space<hbm>>
        %dma_start3A_24 = arith.constant 0 : i32
        %dma_start3A_25 = tpu.memref_slice %arg5[%add3A_11, %dma_start3A_24] : memref<102400x128xf32, #tpu.memory_space<hbm>> -> memref<128x128xf32, #tpu.memory_space<hbm>>
        tpu.enqueue_dma source(%arg8 : memref<128x128xf32, #tpu.memory_space<vmem>>) target(%dma_start3A_25 : memref<128x128xf32, #tpu.memory_space<hbm>>) target_semaphore(%run_scoped3A : memref<!tpu.dma_semaphore, #tpu.memory_space<semaphore_mem>>)
        %dma_wait3A_26 = arith.constant 0 : i32
        %dma_wait3A_27 = tpu.memref_slice %arg5[%add3A_11, %dma_wait3A_26] : memref<102400x128xf32, #tpu.memory_space<hbm>> -> memref<128x128xf32, #tpu.memory_space<hbm>>
        %dma_wait3A_28 = arith.constant 0 : i32
        %dma_wait3A_29 = tpu.memref_slice %arg5[%add3A_11, %dma_wait3A_28] : memref<102400x128xf32, #tpu.memory_space<hbm>> -> memref<128x128xf32, #tpu.memory_space<hbm>>
        tpu.wait_dma2 semaphore(%run_scoped3A : memref<!tpu.dma_semaphore, #tpu.memory_space<semaphore_mem>>) src(%arg8 : memref<128x128xf32, #tpu.memory_space<vmem>>) dst(%dma_wait3A_29 : memref<128x128xf32, #tpu.memory_space<hbm>>)
        tpu.yield
      }) : () -> ()
      %dma_wait3A_19 = arith.constant 0 : i32
      %dma_wait3A_20 = arith.constant 0 : i32
      %dma_wait3A_21 = tpu.memref_slice %arg2[%dma_wait3A_19, %dma_wait3A_20] : memref<102400x128xf32, #tpu.memory_space<hbm>> -> memref<102400x128xf32, #tpu.memory_space<hbm>>
      tpu.wait_indirect_dma semaphore(%arg12 : memref<!tpu.dma_semaphore, #tpu.memory_space<semaphore_mem>>) src(%dma_wait3A_21 : memref<102400x128xf32, #tpu.memory_space<hbm>>) dst(%arg10 : memref<128x128xf32, #tpu.memory_space<vmem>>)
      "tpu.region"() ({
        %run_scoped3A = tpu.sem_alloc : memref<!tpu.dma_semaphore, #tpu.memory_space<semaphore_mem>>
        %dma_start3A_22 = arith.constant 0 : i32
        %dma_start3A_23 = tpu.memref_slice %arg6[%add3A_11, %dma_start3A_22] : memref<102400x128xf32, #tpu.memory_space<hbm>> -> memref<128x128xf32, #tpu.memory_space<hbm>>
        %dma_start3A_24 = arith.constant 0 : i32
        %dma_start3A_25 = tpu.memref_slice %arg6[%add3A_11, %dma_start3A_24] : memref<102400x128xf32, #tpu.memory_space<hbm>> -> memref<128x128xf32, #tpu.memory_space<hbm>>
        tpu.enqueue_dma source(%arg10 : memref<128x128xf32, #tpu.memory_space<vmem>>) target(%dma_start3A_25 : memref<128x128xf32, #tpu.memory_space<hbm>>) target_semaphore(%run_scoped3A : memref<!tpu.dma_semaphore, #tpu.memory_space<semaphore_mem>>)
        %dma_wait3A_26 = arith.constant 0 : i32
        %dma_wait3A_27 = tpu.memref_slice %arg6[%add3A_11, %dma_wait3A_26] : memref<102400x128xf32, #tpu.memory_space<hbm>> -> memref<128x128xf32, #tpu.memory_space<hbm>>
        %dma_wait3A_28 = arith.constant 0 : i32
        %dma_wait3A_29 = tpu.memref_slice %arg6[%add3A_11, %dma_wait3A_28] : memref<102400x128xf32, #tpu.memory_space<hbm>> -> memref<128x128xf32, #tpu.memory_space<hbm>>
        tpu.wait_dma2 semaphore(%run_scoped3A : memref<!tpu.dma_semaphore, #tpu.memory_space<semaphore_mem>>) src(%arg10 : memref<128x128xf32, #tpu.memory_space<vmem>>) dst(%dma_wait3A_29 : memref<128x128xf32, #tpu.memory_space<hbm>>)
        tpu.yield
      }) : () -> ()
    }
    %scan3A_7 = arith.constant 25 : i32
    return
  }
}

</mosaic_0001>

<sc_bundles>
// kernel: _sc_gather2.3.cloned.1.call-start
scs
__scs_entry_jumppad:
0x0: {  	(pc) =	sbr.rel $0x88, $3  }
0x1: {  	(tag) =	ssettag $0x0;
	lr =	simm.s32 $0x1  }
0x2: {  	[smem:$0x3F9E] =	sst lr;
	_ =	strace $0xD0000000  }
0x3: {  	_ = 	snop  }
0x4: {  	_ = 	snop  }
0x5: {  	_ = 	snop  }
0x6: {  	_ = 	snop  }
0x7: {  	_ = 	snop  }
__scs_overlays_trampoline_lowered:
0x8: {  	[smem:$0x3FAD] =	sst s0  }
0x9: {  	[smem:$0x3FAE] =	sst s1  }
0xa: {  	[smem:$0x3FAF] =	sst s2  }
0xb: {  	[smem:$0x3FB0] =	sst s3  }
0xc: {  	[smem:$0x3FB1] =	sst s4  }
0xd: {  	[smem:$0x3FB2] =	sst s5  }
0xe: {  	[smem:$0x3FB3] =	sst s6  }
0xf: {  	[smem:$0x3FB4] =	sst s7  }
0x10: {  	[smem:$0x3FB5] =	sst s8  }
0x11: {  	[smem:$0x3FB6] =	sst s9;
	s0 =	simm.s32 @!p0 $0x0  }
0x12: {  	s1 =	sld [smem:$0x3F9C];
	s0 =	simm.s32 @p0 $0x1  }
0x13: {  	[smem:$0x3FB7] =	sst s0;
	s0 =	simm.s32 @!p1 $0x0  }
0x14: {  	s2 =	sld [smem:$0x3F9B];
	s0 =	simm.s32 @p1 $0x1  }
0x15: {  	[smem:$0x3FB8] =	sst s0;
	s0 =	simm.s32 @!p2 $0x0  }
0x16: {  	s3 =	sld [smem:$0x3FDB];
	s0 =	simm.s32 @p2 $0x1  }
0x17: {  	s4 =	simm.s32 $0x1BF5;
	[smem:$0x3FBA] =	sst s0  }
0x18: {  	s0 =	sld [smem:$0x3F9D];
	_ =	swait.ge [sflag:s4], $0x0  }
0x19: {  	s7 =	sld [smem:$0x3F9E]  }
0x1a: {  	s8 =	sadd.s32 $0xFFFFE003, lr  }
0x1b: {  	s9 =	sadd.s32 $0xFFFFFEF7, lr;
	s5 =	simm.s32 $0xFFFFFFFF;
	p2 =	slt.u32 s8, $0xFFFFF086  }
0x1c: {  	p1 =	slt.u32 s9, $0xF7A;
	s5 =	simm.s32 @!p2 $0x0  }
0x1d: {  	s5 =	simm.s32 @p1 $0x1;
	p0 =	seq.s32 s7, s2  }
0x1e: {  	s7 =	smul.u32 @!p0 $0xF7A, s2;
	p2 =	seq.s32 @!p0 s5, $0x0  }
0x1f: {  	s9 =	smul.u32 $0xF7A, s1;
	s8 =	simm.s32 @!p0 $0x1BF5;
	p2 =	por !p2, p0  }
0x20: {  	[sflag:s8] =	ssyncset.s32 @!p0 $0xFFFFF086;
	s6 =	sadd.s32 @!p0 s3, s7;
	s7 =	simm.s32 @!p0 $0x108  }
0x21: {  	s3 =	sadd.s32 s3, s9;
	s6 =	sadd.s32 @!p0 $0x88, s6;
	s7 =	simm.s32 @p2 $0x1082  }
0x22: {  	[simem:s7], [sflag:s8] =	dma.local @!p0 [hbm:s6], $0xF7A  }
0x23: {  	s9 =	sor.u32 $0xD0000000, s2;
	s6 =	simm.s32 $0x108;
	_ =	swait.ge @!p0 [sflag:s8], $0x0  }
0x24: {  	s3 =	sadd.s32 $0x88, s3;
	s6 =	simm.s32 @!p1 $0x1082;
	[sflag:s4] =	ssyncset.s32 $0xFFFFF086  }
0x25: {  	[simem:s6], [sflag:s4] =	dma.local [hbm:s3], $0xF7A  }
0x26: {  	[smem:$0x3F9E] =	sst s1;
	(tag) =	ssettag s2;
	_ =	strace s9  }
0x27: {  	s1 =	sld [smem:$0x3FAE]  }
0x28: {  	s2 =	sld [smem:$0x3FAF]  }
0x29: {  	s4 =	sld [smem:$0x3FB1]  }
0x2a: {  	p0 =	seq.s32 s5, $0x0;
	s5 =	sld [smem:$0x3FB2]  }
0x2b: {  	s6 =	sld [smem:$0x3FB3]  }
0x2c: {  	s7 =	sld [smem:$0x3FB4]  }
0x2d: {  	s3 =	simm.s32 $0x108;
	s8 =	sld [smem:$0x3FB5]  }
0x2e: {  	s3 =	simm.s32 @!p0 $0x1082;
	s9 =	sld [smem:$0x3FB6]  }
0x2f: {  	lr =	sadd.s32 s0, s3;
	s0 =	sld [smem:$0x3FAD]  }
0x30: {  	s3 =	sld [smem:$0x3FB0]  }
0x31: {  	[smem:$0x3FB9] =	sst s10  }
0x32: {  	s10 =	sld [smem:$0x3FB7];
	_ =	sdelay $0x3  }
0x33: {  	p0 =	seq.s32 s10, $0x1;
	s10 =	sld [smem:$0x3FB9];
	_ =	sdelay $0x3  }
0x34: {  	[smem:$0x3FB9] =	sst s10  }
0x35: {  	s10 =	sld [smem:$0x3FB8];
	_ =	sdelay $0x3  }
0x36: {  	p1 =	seq.s32 s10, $0x1;
	s10 =	sld [smem:$0x3FB9];
	_ =	sdelay $0x3  }
0x37: {  	[smem:$0x3FB9] =	sst s10  }
0x38: {  	s10 =	sld [smem:$0x3FBA]  }
0x39: {  	_ = 	snop;
	(pc) =	sbr.ind lr, $3  }
0x3a: {  	_ = 	snop  }
0x3b: {  	_ = 	snop  }
0x3c: {  	p2 =	seq.s32 s10, $0x1;
	s10 =	sld [smem:$0x3FB9]  }
0x3d: {  	_ =	shalt  }
0x3e: {  	_ =	shalt  }
0x3f: {  	_ =	shalt  }
0x40: {  	_ =	shalt  }
0x41: {  	_ =	shalt  }
0x42: {  	_ =	shalt  }
0x43: {  	_ =	shalt  }
0x44: {  	_ =	shalt  }
0x45: {  	_ =	shalt  }
0x46: {  	_ =	shalt  }
0x47: {  	_ =	shalt  }
0x48: {  	_ =	shalt  }
0x49: {  	_ =	shalt  }
0x4a: {  	_ =	shalt  }
0x4b: {  	_ =	shalt  }
0x4c: {  	_ =	shalt  }
0x4d: {  	_ =	shalt  }
0x4e: {  	_ =	shalt  }
0x4f: {  	_ =	shalt  }
0x50: {  	_ =	shalt  }
0x51: {  	_ =	shalt  }
0x52: {  	_ =	shalt  }
0x53: {  	_ =	shalt  }
0x54: {  	_ =	shalt  }
0x55: {  	_ =	shalt  }
0x56: {  	_ =	shalt  }
0x57: {  	_ =	shalt  }
0x58: {  	_ =	shalt  }
0x59: {  	_ =	shalt  }
0x5a: {  	_ =	shalt  }
0x5b: {  	_ =	shalt  }
0x5c: {  	_ =	shalt  }
0x5d: {  	_ =	shalt  }
0x5e: {  	_ =	shalt  }
0x5f: {  	_ =	shalt  }
0x60: {  	_ =	shalt  }
0x61: {  	_ =	shalt  }
0x62: {  	_ =	shalt  }
0x63: {  	_ =	shalt  }
0x64: {  	_ =	shalt  }
0x65: {  	_ =	shalt  }
0x66: {  	_ =	shalt  }
0x67: {  	_ =	shalt  }
0x68: {  	_ =	shalt  }
0x69: {  	_ =	shalt  }
0x6a: {  	_ =	shalt  }
0x6b: {  	_ =	shalt  }
0x6c: {  	_ =	shalt  }
0x6d: {  	_ =	shalt  }
0x6e: {  	_ =	shalt  }
0x6f: {  	_ =	shalt  }
0x70: {  	_ =	shalt  }
0x71: {  	_ =	shalt  }
0x72: {  	_ =	shalt  }
0x73: {  	_ =	shalt  }
0x74: {  	_ =	shalt  }
0x75: {  	_ =	shalt  }
0x76: {  	_ =	shalt  }
0x77: {  	_ =	shalt  }
0x78: {  	_ =	shalt  }
0x79: {  	_ =	shalt  }
0x7a: {  	_ =	shalt  }
0x7b: {  	_ =	shalt  }
0x7c: {  	_ =	shalt  }
0x7d: {  	_ =	shalt  }
0x7e: {  	_ =	shalt  }
0x7f: {  	_ =	shalt  }
0x80: {  	_ =	shalt  }
0x81: {  	_ =	shalt  }
0x82: {  	_ =	shalt  }
0x83: {  	_ =	shalt  }
0x84: {  	_ =	shalt  }
0x85: {  	_ =	shalt  }
0x86: {  	_ =	shalt  }
0x87: {  	_ =	shalt  }
.Lfunc_end0:
.L_simem_size_0:
called_computation_lowered:
.L_overlay_start_0:
0x88: {  	s2 =	sld [smem:$0x3FD9]  }
0x89: {  	s3 =	sld [smem:$0x3FFE];
	_ =	sdelay $0x1  }
0x8a: {  	s1 =	srdreg.scid  }
0x8b: {  	s0 =	sand.u32 $0x1, s1  }
0x8c: {  	s15 =	sshll.u32 s0, $0xA;
	s2 =	sadd.s32 s3, s2  }
0x8d: {  	s2 =	sadd.s32 s2, s15  }
0x8e: {  	[smem:$0x3FC5] =	sst s2  }
0x8f: {  	_ = 	snop  }
0x90: {  	s2 =	sld [smem:$0x3FD0]  }
0x91: {  	s16 =	sld [smem:$0x3FC9]  }
0x92: {  	s4 =	sld [smem:$0x3FC8]  }
0x93: {  	s6 =	simm.s32 $0xA;
	s7 =	simm.s32 $0x10;
	s5 =	sld [smem:$0x3FC7]  }
0x94: {  	[smem:s7], [sflag:s6] =	dma.local [hbm:s2], $0x1  }
0x95: {  	_ =	swait.eq [sflag:s6], $0x1  }
0x96: {  	[sflag:s6] =	ssyncset.done $0x0  }
0x97: {  	s17 =	sld [smem:$0x10];
	[sflag:s6] =	ssyncadd.s32 $0xFFFFFFFF  }
0x98: {  	s18 =	sld [smem:$0x11];
	(tm) =	ssettm $0x1  }
0x99: {  	s19 =	sld [smem:$0x3FFB];
	_ =	sdelay $0x3  }
0x9a: {  	_ =	strace s19  }
0x9b: {  	s7 =	sld [smem:$0x3FFC];
	_ =	sdelay $0x3  }
0x9c: {  	_ =	strace s7  }
0x9d: {  	s7 =	sld [smem:$0x3FFD];
	_ =	sdelay $0x3  }
0x9e: {  	_ =	strace s7  }
0x9f: {  	_ =	strace $0x8FFFFFFF  }
0xa0: {  	s20 =	sld [smem:$0x3FDB];
	_ =	sdelay $0x1  }
0xa1: {  	s8 =	simm.s32 $_scs_section_size  }
0xa2: {  	s9 =	simm.s32 $_size__tile_overlayer_lowered;
	s10 =	simm.s32 $_tile_overlayer_lowered  }
0xa3: {  	s23 =	simm.s32 $0x1BFF;
	s22 =	sshll.u32 s10, $0x1;
	s7 =	sadd.s32 s8, s20  }
0xa4: {  	s11 =	simm.s32 $0x0;
	s21 =	sshll.u32 s9, $0x1;
	s9 =	sadd.s32 s22, s7  }
0xa5: {  	[timem:s11], [sflag:s23] =	dma.local [hbm:s9], s21  }
0xa6: {  	_ =	swait.ge [sflag:s23], s21  }
0xa7: {  	s8 =	ssub.s32 $0x0, s21;
	[sflag:s23] =	ssyncset.done $0x0  }
0xa8: {  	[sflag:s23] =	ssyncadd.s32 s8;
	_ =	sdelay $0x1  }
0xa9: {  	s24 =	simm.s32 $0x1B8B  }
0xaa: {  	_ =	swait.ge [sflag:s24], $0x1  }
0xab: {  	[sflag:s24] =	ssyncset.done $0x0  }
0xac: {  	s25 =	simm.s32 $0x1B8E;
	[sflag:s24] =	ssyncadd.s32 $0xFFFFFFFF  }
0xad: {  	s26 =	simm.s32 $execute0_lowered;
	[smem:$0x3FD2] =	sst s25  }
0xae: {  	s8 =	sshll.u32 s26, $0x1;
	_ =	strace $0x80000046;
	[dreg:$0x1] =	wrdreg $0xFFFFFFFF  }
0xaf: {  	s28 =	simm.s32 $_size_execute0_lowered;
	s7 =	sadd.s32 s7, s8;
	[dreg:$0x0] =	wrdreg $0x0  }
0xb0: {  	s8 =	sshll.u32 s28, $0x1;
	[dreg:$0x2] =	wrdreg s7  }
0xb1: {  	[dreg:$0x3] =	wrdreg s8  }
0xb2: {  	[dreg:$0x4] =	wrdreg $0xC0  }
0xb3: {  	_ =	task [dreg:s11], $0x5FFFF  }
0xb4: {  	[dreg:$0x1] =	wrdreg $0xFFFFFFFF  }
0xb5: {  	[dreg:$0x0] =	wrdreg $0x60  }
0xb6: {  	[dreg:$0x2] =	wrdreg s16  }
0xb7: {  	[dreg:$0x3] =	wrdreg s4  }
0xb8: {  	[dreg:$0x4] =	wrdreg s5  }
0xb9: {  	[dreg:$0x5] =	wrdreg s17  }
0xba: {  	[dreg:$0x6] =	wrdreg s18  }
0xbb: {  	[dreg:$0x7] =	wrdreg $0x9  }
0xbc: {  	_ =	task.clear_ibuf [dreg:s11], $0x8FFFF;
	_ =	strace $0x90000046  }
0xbd: {  	s29 =	simm.s32 $0x9;
	_ =	strace $0x80000048  }
0xbe: {  	_ =	swait.ge [sflag:s29], $0x1  }
0xbf: {  	[sflag:s29] =	ssyncadd.s32 $0xFFFFFFFF  }
0xc0: {  	_ =	strace $0x90000048  }
0xc1: {  	_ =	sfence  }
0xc2: {  	s30 =	sld [smem:$0x0];
	_ =	sdelay $0x2  }
0xc3: {  	s31 =	sshll.u32 s1, $0xD;
	s1 =	sshrl.u32 s1, $0x2  }
0xc4: {  	s3 =	sand.u32 $0x4000, s31;
	s1 =	sadd.s32 s1, s30  }
0xc5: {  	s0 =	sor.u32 s3, s0;
	s1 =	sshll.u32 s1, $0x11  }
0xc6: {  	s0 =	sor.u32 s1, s0  }
0xc7: {  	s0 =	sadd.s32 $0x8F2B, s0  }
0xc8: {  	[sflag:s0] =	ssyncadd.remote.s32 $0x1  }
0xc9: {  	_ =	sfence.sel $0xFFFF  }
0xca: {  	[dreg:$0x0] =	wrdreg $0xFFFFFFFF;
	(pc) =	sbr.abs _section_cstart, $3  }
0xcb: {  	[dreg:$0x1] =	wrdreg $0xFFFFFFFF  }
0xcc: {  	_ =	task.clear_ibuf [dreg:s11], $0x2FFFF;
	_ =	strace $0x9FFFFFFF  }
0xcd: {  	(tm) =	ssettm $0x7FFFFFFF  }
tec
execute0_lowered:
.L_overlay_start_1:
0x0: {  	(tag) =	ssettag $0x1  }
0x1: {  	s0 =	rddreg [dreg:$0x0]  }
0x2: {  	s8 =	rddreg [dreg:$0x1]  }
0x3: {  	s7 =	rddreg [dreg:$0x2]  }
0x4: {  	s5 =	rddreg [dreg:$0x3];
	s1 =	srdreg.scid  }
0x5: {  	s6 =	rddreg [dreg:$0x4];
	s2 =	stileid.u32;
	s3 =	simm.s32 $0x0  }
0x6: {  	s13 =	simm.s32 $0x1;
	s14 =	simm.s32 $0x2;
	s10 =	smul.u32 $0x19000, s2  }
0x7: {  	s9 =	sand.u32 $0x1, s1;
	s1 =	rddreg [dreg:$0x5];
	s12 =	smul.u32 $0x1900, s2  }
0x8: {  	s15 =	simm.s32 $0x0;
	[smem:$0x7FF] =	sst s3;
	s29 =	smul.u32 $0xC80, s9  }
0x9: {  	s4 =	ssub.s32 $0x2, s9;
	_ =	strace $0x80000047;
	s9 =	smul.u32 $0xC800, s9  }
0xa: {  	s11 =	sshrl.u32 s4, $0x1;
	s5 =	sadd.s32 s10, s5;
	s6 =	sadd.s32 s10, s6  }
0xb: {  	s10 =	simm.s32 $0x4080;
	s4 =	ssub.s32 s4, s11;
	s30 =	sadd.s32 s29, s12  }
0xc: {  	s5 =	sadd.s32 s9, s5;
	s6 =	sadd.s32 s9, s6;
	s9 =	simm.s32 $0x3  }
0xd: {  	s11 =	simm.s32 $0x80;
	s12 =	simm.s32 $0x4100;
	s31 =	sshrl.u32 s30, $0x3  }
0xe: {  	s4 =	smax.u32 s4, $0x1;
	s7 =	sadd.s32 s31, s7;
	s8 =	sadd.s32 s31, s8  }
.LBB2_1:
0xf: {  	s16 =	sadd.s32 $0x0, s8  }
0x10: {  	[tilespmem:s3], [sflag:$0x3] =	stream.linear.gather [hbm4b:s16+s3], $0x80, $0x38;
	[tilespmem:$0x8100] =	vst v63  }
0x11: {  	_ =	swait.ge [sflag:s9], $0x80  }
0x12: {  	[sflag:s9] =	ssyncset.done $0x0  }
0x13: {  	s31 =	sadd.s32 $0x0, s7;
	[sflag:s9] =	ssyncadd.s32 $0xFFFFFF80  }
0x14: {  	[tilespmem:s10], [sflag:$0x3] =	stream.linear.gather [hbm4b:s31+s3], $0x80, $0x38;
	[tilespmem:$0x8100] =	vst v63  }
0x15: {  	_ =	swait.ge [sflag:s9], $0x80  }
0x16: {  	[sflag:s9] =	ssyncset.done $0x0  }
0x17: {  	[sflag:s9] =	ssyncadd.s32 $0xFFFFFF80  }
0x18: {  	[tilespmem:s11], [sflag:$0x1] =	stream.indirect.gather [hbm4b:s0+s11], $0x80, s3, s11, $0xb8;
	[tilespmem:$0x8100] =	vst v63  }
0x19: {  	_ = 	snop  }
0x1a: {  	[tilespmem:s12], [sflag:$0x2] =	stream.indirect.gather [hbm4b:s0+s11], $0x80, s10, s11, $0xb8;
	[tilespmem:$0x8100] =	vst v63  }
0x1b: {  	_ =	swait.ge [sflag:s13], $0x4000  }
0x1c: {  	[sflag:s13] =	ssyncset.done $0x0  }
0x1d: {  	[sflag:s13] =	ssyncadd.s32 $0xFFFFC000  }
0x1e: {  	[hbm4b:s5+s3] =	stream.linear.scatter [tilespmem:s11], [sflag:$0x3], $0x4000, $0x38;
	[tilespmem:$0x8100] =	vst v63  }
0x1f: {  	_ =	swait.ge [sflag:s9], $0x4000  }
0x20: {  	[sflag:s9] =	ssyncset.done $0x0  }
0x21: {  	[sflag:s9] =	ssyncadd.s32 $0xFFFFC000  }
0x22: {  	_ =	swait.ge [sflag:s14], $0x4000  }
0x23: {  	[sflag:s14] =	ssyncset.done $0x0  }
0x24: {  	[sflag:s14] =	ssyncadd.s32 $0xFFFFC000  }
0x25: {  	[hbm4b:s6+s3] =	stream.linear.scatter [tilespmem:s12], [sflag:$0x3], $0x4000, $0x38;
	[tilespmem:$0x8100] =	vst v63  }
0x26: {  	s18 =	simm.s32 $0x10;
	s19 =	simm.s32 $0x20;
	_ =	swait.ge [sflag:s9], $0x4000  }
0x27: {  	s17 =	sadd.s32 $0x800, s5;
	s16 =	sadd.s32 $0x800, s6;
	[sflag:s9] =	ssyncset.done $0x0  }
.LBB2_2:
0x28: {  	s20 =	sadd.s32 s18, s8  }
0x29: {  	[sflag:s9] =	ssyncadd.s32 $0xFFFFC000;
	s21 =	smov.u32 s19;
	s22 =	sadd.s32 $0x10, s19  }
0x2a: {  	[tilespmem:s3], [sflag:$0x3] =	stream.linear.gather [hbm4b:s20+s3], $0x80, $0x38;
	[tilespmem:$0x8100] =	vst v63  }
0x2b: {  	p0 =	sne.s32 s19, $0x180;
	_ =	swait.ge [sflag:s9], $0x80  }
0x2c: {  	[sflag:s9] =	ssyncset.done $0x0  }
0x2d: {  	s19 =	sadd.s32 s18, s7;
	s18 =	smov.u32 s21;
	[sflag:s9] =	ssyncadd.s32 $0xFFFFFF80  }
0x2e: {  	[tilespmem:s10], [sflag:$0x3] =	stream.linear.gather [hbm4b:s19+s3], $0x80, $0x38;
	[tilespmem:$0x8100] =	vst v63  }
0x2f: {  	_ =	swait.ge [sflag:s9], $0x80  }
0x30: {  	[sflag:s9] =	ssyncset.done $0x0  }
0x31: {  	[sflag:s9] =	ssyncadd.s32 $0xFFFFFF80  }
0x32: {  	[tilespmem:s11], [sflag:$0x1] =	stream.indirect.gather [hbm4b:s0+s11], $0x80, s3, s11, $0xb8;
	[tilespmem:$0x8100] =	vst v63  }
0x33: {  	_ = 	snop  }
0x34: {  	[tilespmem:s12], [sflag:$0x2] =	stream.indirect.gather [hbm4b:s0+s11], $0x80, s10, s11, $0xb8;
	[tilespmem:$0x8100] =	vst v63  }
0x35: {  	_ =	swait.ge [sflag:s13], $0x4000  }
0x36: {  	[sflag:s13] =	ssyncset.done $0x0  }
0x37: {  	[sflag:s13] =	ssyncadd.s32 $0xFFFFC000  }
0x38: {  	[hbm4b:s17+s3] =	stream.linear.scatter [tilespmem:s11], [sflag:$0x3], $0x4000, $0x38;
	[tilespmem:$0x8100] =	vst v63  }
0x39: {  	_ =	swait.ge [sflag:s9], $0x4000  }
0x3a: {  	[sflag:s9] =	ssyncset.done $0x0  }
0x3b: {  	[sflag:s9] =	ssyncadd.s32 $0xFFFFC000  }
0x3c: {  	_ =	swait.ge [sflag:s14], $0x4000  }
.Ltmp0:
0x3d: {  	[sflag:s14] =	ssyncset.done $0x0;
	(pc) =	sbr.rel @p0 .LBB2_2-.Ltmp0, $4  }
0x3e: {  	[sflag:s14] =	ssyncadd.s32 $0xFFFFC000  }
0x3f: {  	[hbm4b:s16+s3] =	stream.linear.scatter [tilespmem:s12], [sflag:$0x3], $0x4000, $0x38;
	[tilespmem:$0x8100] =	vst v63  }
0x40: {  	s19 =	smov.u32 s22;
	_ =	swait.ge [sflag:s9], $0x4000  }
0x41: {  	s17 =	sadd.s32 $0x800, s17;
	s16 =	sadd.s32 $0x800, s16;
	[sflag:s9] =	ssyncset.done $0x0  }
0x42: {  	s19 =	sadd.s32 s18, s8;
	[sflag:s9] =	ssyncadd.s32 $0xFFFFC000  }
0x43: {  	[tilespmem:s3], [sflag:$0x3] =	stream.linear.gather [hbm4b:s19+s3], $0x80, $0x38;
	[tilespmem:$0x8100] =	vst v63  }
0x44: {  	_ =	swait.ge [sflag:s9], $0x80  }
0x45: {  	[sflag:s9] =	ssyncset.done $0x0  }
0x46: {  	s31 =	sadd.s32 s18, s7;
	[sflag:s9] =	ssyncadd.s32 $0xFFFFFF80  }
0x47: {  	[tilespmem:s10], [sflag:$0x3] =	stream.linear.gather [hbm4b:s31+s3], $0x80, $0x38;
	[tilespmem:$0x8100] =	vst v63  }
0x48: {  	_ =	swait.ge [sflag:s9], $0x80  }
0x49: {  	[sflag:s9] =	ssyncset.done $0x0  }
0x4a: {  	[sflag:s9] =	ssyncadd.s32 $0xFFFFFF80  }
0x4b: {  	[tilespmem:s11], [sflag:$0x1] =	stream.indirect.gather [hbm4b:s0+s11], $0x80, s3, s11, $0xb8;
	[tilespmem:$0x8100] =	vst v63  }
0x4c: {  	_ = 	snop  }
0x4d: {  	[tilespmem:s12], [sflag:$0x2] =	stream.indirect.gather [hbm4b:s0+s11], $0x80, s10, s11, $0xb8;
	[tilespmem:$0x8100] =	vst v63  }
0x4e: {  	_ =	swait.ge [sflag:s13], $0x4000  }
0x4f: {  	[sflag:s13] =	ssyncset.done $0x0  }
0x50: {  	[sflag:s13] =	ssyncadd.s32 $0xFFFFC000  }
0x51: {  	[hbm4b:s17+s3] =	stream.linear.scatter [tilespmem:s11], [sflag:$0x3], $0x4000, $0x38;
	[tilespmem:$0x8100] =	vst v63  }
0x52: {  	_ =	swait.ge [sflag:s9], $0x4000  }
0x53: {  	[sflag:s9] =	ssyncset.done $0x0  }
0x54: {  	[sflag:s9] =	ssyncadd.s32 $0xFFFFC000  }
0x55: {  	s15 =	sadd.s32 $0x1, s15;
	_ =	swait.ge [sflag:s14], $0x4000  }
0x56: {  	p0 =	sne.s32 s15, s4;
	[sflag:s14] =	ssyncset.done $0x0  }
.Ltmp1:
0x57: {  	[sflag:s14] =	ssyncadd.s32 $0xFFFFC000;
	(pc) =	sbr.rel @p0 .LBB2_1-.Ltmp1, $4  }
0x58: {  	[hbm4b:s16+s3] =	stream.linear.scatter [tilespmem:s12], [sflag:$0x3], $0x4000, $0x38;
	[tilespmem:$0x8100] =	vst v63  }
0x59: {  	_ =	swait.ge [sflag:s9], $0x4000  }
0x5a: {  	[sflag:s9] =	ssyncset.done $0x0  }
0x5b: {  	[sflag:s9] =	ssyncadd.s32 $0xFFFFC000  }
0x5c: {  	_ =	sfence.sel $0x180000  }
0x5d: {  	[bflag:$0x0] =	sbarrier.arrive $0xFFFF  }
0x5e: {  	p0 =	sne.s32 s2, $0x0;
	_ =	strace $0x90000047  }
0x5f: {  	s0 =	sadd.s32 @!p0 $0x100000, s1;
	[bflag:$0x2] =	sbarrier.arrive $0xFFFF  }
0x60: {  	[sflag:s0] =	ssyncadd.tile.s32 @!p0 $0x1;
	_ =	shalt  }
.Lfunc_end2:
_tile_overlayer_lowered:
.L_overlay_start_2:
0x61: {  	(tag) =	ssettag $0x2  }
0x62: {  	s0 =	rddreg [dreg:$0x0];
	s2 =	stileid.u32  }
0x63: {  	s1 =	rddreg [dreg:$0x1];
	p0 =	sne.s32 s2, $0x0  }
0x64: {  	s3 =	rddreg [dreg:$0x2];
	[bflag:$0x3] =	sbarrier.arrive $0xFFFF;
	s2 =	simm.s32 @!p0 $0x1C03  }
0x65: {  	[timem:s3], [sflag:s2] =	dma.local @!p0 [hbm:s0], s1  }
0x66: {  	s0 =	simm.s32 @!p0 $0x3  }
0x67: {  	_ =	swait.ge @!p0 [sflag:s0], s1  }
0x68: {  	s1 =	ssub.s32 @!p0 $0x0, s1;
	[sflag:s0] =	ssyncset.done @!p0 $0x0  }
0x69: {  	[sflag:s0] =	ssyncadd.s32 @!p0 s1  }
0x6a: {  	[bflag:$0x3] =	sbarrier.arrive $0xFFFF  }
0x6b: {  	_ =	shalt  }

</sc_bundles>
